<compile_context>
chip_gen: v7x
topology: tpu7x:2x2x1
jax: 0.10.2.dev20260603
libtpu: 0.0.44.dev20260713+nightly
codegen_flags: <defaults>
</compile_context>

<pallas_src>
import functools

import jax
import jax.numpy as jnp
from jax import lax
from jax.experimental import pallas as pl
from jax.experimental.pallas import tpu as pltpu
from jax.experimental.pallas import tpu_sc as plsc

N_NODES = 100000
D_FEAT = 128
BATCH = 8192
LANES = 16
CHUNKS = (64, 64, 64, 64)


@functools.lru_cache(maxsize=None)
def _build(batch, d_feat):
    info = plsc.get_sparse_core_info()
    nw = info.num_cores * info.num_subcores
    b_per_w = batch // nw
    assert sum(CHUNKS) == b_per_w
    offs = [sum(CHUNKS[:j]) for j in range(len(CHUNKS))]
    mesh = plsc.VectorSubcoreMesh(core_axis_name="c", subcore_axis_name="s")

    @functools.partial(
        pl.kernel,
        mesh=mesh,
        out_type=jax.ShapeDtypeStruct((batch, d_feat), jnp.float32),
        scratch_types=[
            pltpu.VMEM((b_per_w,), jnp.int32),
            pltpu.VMEM((b_per_w, d_feat), jnp.float32),
            pltpu.SemaphoreType.DMA,
            pltpu.SemaphoreType.DMA,
            pltpu.SemaphoreType.DMA,
            pltpu.SemaphoreType.DMA,
        ],
    )
    def gather_add(nf_hbm, mem_hbm, idx_hbm, out_hbm, idx_v, rows, sem_i, sem_a, sem_b, sem_o):
        wid = lax.axis_index("s") * info.num_cores + lax.axis_index("c")
        base = wid * b_per_w
        sls = [pl.ds(o, c) for o, c in zip(offs, CHUNKS)]
        idx_copies = [
            pltpu.async_copy(idx_hbm.at[pl.ds(base + o, c)], idx_v.at[sl], sem_i)
            for o, c, sl in zip(offs, CHUNKS, sls)
        ]
        nf_copies = []
        for j, sl in enumerate(sls):
            idx_copies[j].wait()
            nf_copies.append(
                pltpu.async_copy(nf_hbm.at[idx_v.at[sl]], rows.at[sl], sem_a)
            )
        add_copies = []
        for j, sl in enumerate(sls):
            nf_copies[j].wait()
            add_copies.append(
                pltpu.async_copy(mem_hbm.at[idx_v.at[sl]], rows.at[sl], sem_b, add=True)
            )
        out_copies = []
        for j, sl in enumerate(sls):
            add_copies[j].wait()
            out_copies.append(
                pltpu.async_copy(
                    rows.at[sl], out_hbm.at[pl.ds(base + offs[j], CHUNKS[j])], sem_o
                )
            )
        for c in out_copies:
            c.wait()

    return gather_add


def kernel(node_features, memory, source_nodes, timestamps, time_w, time_b):
    del timestamps, time_w, time_b
    idx = source_nodes.astype(jnp.int32)
    return _build(idx.shape[0], node_features.shape[1])(node_features, memory, idx)

# --- scband reference (transcript-rebuilt; emitter-appended) ---
"""Pipeline reference for scband-graph-embedding-45956150067991 (READ-ONLY COPY).

The authoritative reference and input builder live on the scoring server;
editing this copy changes nothing except your own understanding.
"""

import jax, jax.numpy as jnp
import numpy as np

N_NODES = 100000
D_FEAT = 128
BATCH = 8192
TIME_DIM = 128

def setup_inputs(seed: int = 0) -> dict:
    key = jax.random.key(seed)
    k1, k2, k3, k4, k5, k6 = jax.random.split(key, 6)
    node_features = jax.random.normal(k1, (N_NODES, D_FEAT), dtype=jnp.float32)
    memory = jax.random.normal(k2, (N_NODES, D_FEAT), dtype=jnp.float32)
    source_nodes = jax.random.randint(k3, (BATCH,), 0, N_NODES, dtype=jnp.int64) if jax.config.jax_enable_x64 else jax.random.randint(k3, (BATCH,), 0, N_NODES, dtype=jnp.int32)
    timestamps = jax.random.uniform(k4, (BATCH,), dtype=jnp.float32) * 1000.0
    # TimeEncode parameters (harmonic time encoder: cos(t @ w.T + b))
    time_w = jax.random.normal(k5, (TIME_DIM, 1), dtype=jnp.float32)
    time_b = jax.random.normal(k6, (TIME_DIM,), dtype=jnp.float32)
    return {
        "node_features": node_features,
        "memory": memory,
        "source_nodes": source_nodes,
        "timestamps": timestamps,
        "time_w": time_w,
        "time_b": time_b,
    }

def time_encode(t, time_w, time_b):
    # t: [B, 1] -> [B, 1, TIME_DIM] in original; we return [B, TIME_DIM]
    return jnp.cos(t @ time_w.T + time_b)

def reference(node_features, memory, source_nodes, timestamps, time_w, time_b):
    # GraphEmbedding.compute_embedding with n_layers == 0 (base case of recursion)
    timestamps_col = timestamps[:, None]
    # source_nodes_time_embedding = time_encoder(zeros_like(timestamps)) -- computed per original code
    source_nodes_time_embedding = time_encode(jnp.zeros_like(timestamps_col), time_w, time_b)
    # gather node features (SparseCore gather)
    source_node_features = jnp.take(node_features, source_nodes, axis=0)
    # use_memory=True: add memory state gathered by the same node ids
    source_node_features = jnp.take(memory, source_nodes, axis=0) + source_node_features
    # n_layers == 0 -> return base features
    return source_node_features

if __name__ == "__main__":
    import jax
    _d = setup_inputs()
    print(jax.jit(kernel)(*tuple(_d.values())))

</pallas_src>

<mosaic_0001>
#map = affine_map<(d0, d1) -> (0, 0)>
#map1 = affine_map<(d0, d1) -> (0)>
module attributes {stable_mosaic.version = 14 : i64} {
  func.func @gather_add(%arg0: i32, %arg1: i32, %arg2: memref<100000x128xf32, #tpu.memory_space<hbm>>, %arg3: memref<100000x128xf32, #tpu.memory_space<hbm>>, %arg4: memref<8192xi32, #tpu.memory_space<hbm>>, %arg5: memref<8192x128xf32, #tpu.memory_space<hbm>>, %arg6: memref<256xi32, #tpu.memory_space<vmem>>, %arg7: memref<256x128xf32, #tpu.memory_space<vmem>>, %arg8: memref<!tpu.dma_semaphore, #tpu.memory_space<semaphore_mem>>, %arg9: memref<!tpu.dma_semaphore, #tpu.memory_space<semaphore_mem>>, %arg10: memref<!tpu.dma_semaphore, #tpu.memory_space<semaphore_mem>>, %arg11: memref<!tpu.dma_semaphore, #tpu.memory_space<semaphore_mem>>) attributes {dimension_semantics = [#tpu.dimension_semantics<core_parallel>, #tpu.dimension_semantics<subcore_parallel>], iteration_bounds = array<i64: 2, 16>, scalar_prefetch = 0 : i64, scratch_operands = 6 : i64, tpu.core_type = #tpu.core_type<sc_vector_subcore>, window_params = [{transform_indices = #map}, {transform_indices = #map}, {transform_indices = #map1}, {transform_indices = #map}]} {
    %mul3A = arith.constant 2 : i32
    %mul3A_0 = arith.muli %arg1, %mul3A : i32
    %add3A = arith.addi %mul3A_0, %arg0 : i32
    %mul3A_1 = arith.constant 256 : i32
    %mul3A_2 = arith.muli %add3A, %mul3A_1 : i32
    %add3A_3 = arith.constant 0 : i32
    %add3A_4 = arith.addi %mul3A_2, %add3A_3 : i32
    %dma_start3A = arith.constant 0 : i32
    %dma_start3A_5 = tpu.memref_slice %arg6[%dma_start3A] : memref<256xi32, #tpu.memory_space<vmem>> -> memref<64xi32, #tpu.memory_space<vmem>>
    %dma_start3A_6 = tpu.memref_slice %arg4[%add3A_4] : memref<8192xi32, #tpu.memory_space<hbm>> -> memref<64xi32, #tpu.memory_space<hbm>>
    %dma_start3A_7 = arith.constant 0 : i32
    %dma_start3A_8 = tpu.memref_slice %arg6[%dma_start3A_7] : memref<256xi32, #tpu.memory_space<vmem>> -> memref<64xi32, #tpu.memory_space<vmem>>
    %dma_start3A_9 = tpu.memref_slice %arg4[%add3A_4] : memref<8192xi32, #tpu.memory_space<hbm>> -> memref<64xi32, #tpu.memory_space<hbm>>
    tpu.enqueue_dma source(%dma_start3A_9 : memref<64xi32, #tpu.memory_space<hbm>>) target(%dma_start3A_8 : memref<64xi32, #tpu.memory_space<vmem>>) target_semaphore(%arg8 : memref<!tpu.dma_semaphore, #tpu.memory_space<semaphore_mem>>)
    %add3A_10 = arith.constant 64 : i32
    %add3A_11 = arith.addi %mul3A_2, %add3A_10 : i32
    %dma_start3A_12 = arith.constant 64 : i32
    %dma_start3A_13 = tpu.memref_slice %arg6[%dma_start3A_12] : memref<256xi32, #tpu.memory_space<vmem>> -> memref<64xi32, #tpu.memory_space<vmem>>
    %dma_start3A_14 = tpu.memref_slice %arg4[%add3A_11] : memref<8192xi32, #tpu.memory_space<hbm>> -> memref<64xi32, #tpu.memory_space<hbm>>
    %dma_start3A_15 = arith.constant 64 : i32
    %dma_start3A_16 = tpu.memref_slice %arg6[%dma_start3A_15] : memref<256xi32, #tpu.memory_space<vmem>> -> memref<64xi32, #tpu.memory_space<vmem>>
    %dma_start3A_17 = tpu.memref_slice %arg4[%add3A_11] : memref<8192xi32, #tpu.memory_space<hbm>> -> memref<64xi32, #tpu.memory_space<hbm>>
    tpu.enqueue_dma source(%dma_start3A_17 : memref<64xi32, #tpu.memory_space<hbm>>) target(%dma_start3A_16 : memref<64xi32, #tpu.memory_space<vmem>>) target_semaphore(%arg8 : memref<!tpu.dma_semaphore, #tpu.memory_space<semaphore_mem>>)
    %add3A_18 = arith.constant 128 : i32
    %add3A_19 = arith.addi %mul3A_2, %add3A_18 : i32
    %dma_start3A_20 = arith.constant 128 : i32
    %dma_start3A_21 = tpu.memref_slice %arg6[%dma_start3A_20] : memref<256xi32, #tpu.memory_space<vmem>> -> memref<64xi32, #tpu.memory_space<vmem>>
    %dma_start3A_22 = tpu.memref_slice %arg4[%add3A_19] : memref<8192xi32, #tpu.memory_space<hbm>> -> memref<64xi32, #tpu.memory_space<hbm>>
    %dma_start3A_23 = arith.constant 128 : i32
    %dma_start3A_24 = tpu.memref_slice %arg6[%dma_start3A_23] : memref<256xi32, #tpu.memory_space<vmem>> -> memref<64xi32, #tpu.memory_space<vmem>>
    %dma_start3A_25 = tpu.memref_slice %arg4[%add3A_19] : memref<8192xi32, #tpu.memory_space<hbm>> -> memref<64xi32, #tpu.memory_space<hbm>>
    tpu.enqueue_dma source(%dma_start3A_25 : memref<64xi32, #tpu.memory_space<hbm>>) target(%dma_start3A_24 : memref<64xi32, #tpu.memory_space<vmem>>) target_semaphore(%arg8 : memref<!tpu.dma_semaphore, #tpu.memory_space<semaphore_mem>>)
    %add3A_26 = arith.constant 192 : i32
    %add3A_27 = arith.addi %mul3A_2, %add3A_26 : i32
    %dma_start3A_28 = arith.constant 192 : i32
    %dma_start3A_29 = tpu.memref_slice %arg6[%dma_start3A_28] : memref<256xi32, #tpu.memory_space<vmem>> -> memref<64xi32, #tpu.memory_space<vmem>>
    %dma_start3A_30 = tpu.memref_slice %arg4[%add3A_27] : memref<8192xi32, #tpu.memory_space<hbm>> -> memref<64xi32, #tpu.memory_space<hbm>>
    %dma_start3A_31 = arith.constant 192 : i32
    %dma_start3A_32 = tpu.memref_slice %arg6[%dma_start3A_31] : memref<256xi32, #tpu.memory_space<vmem>> -> memref<64xi32, #tpu.memory_space<vmem>>
    %dma_start3A_33 = tpu.memref_slice %arg4[%add3A_27] : memref<8192xi32, #tpu.memory_space<hbm>> -> memref<64xi32, #tpu.memory_space<hbm>>
    tpu.enqueue_dma source(%dma_start3A_33 : memref<64xi32, #tpu.memory_space<hbm>>) target(%dma_start3A_32 : memref<64xi32, #tpu.memory_space<vmem>>) target_semaphore(%arg8 : memref<!tpu.dma_semaphore, #tpu.memory_space<semaphore_mem>>)
    %dma_wait3A = arith.constant 0 : i32
    %dma_wait3A_34 = tpu.memref_slice %arg6[%dma_wait3A] : memref<256xi32, #tpu.memory_space<vmem>> -> memref<64xi32, #tpu.memory_space<vmem>>
    %dma_wait3A_35 = tpu.memref_slice %arg4[%add3A_4] : memref<8192xi32, #tpu.memory_space<hbm>> -> memref<64xi32, #tpu.memory_space<hbm>>
    %dma_wait3A_36 = arith.constant 0 : i32
    %dma_wait3A_37 = tpu.memref_slice %arg6[%dma_wait3A_36] : memref<256xi32, #tpu.memory_space<vmem>> -> memref<64xi32, #tpu.memory_space<vmem>>
    %dma_wait3A_38 = tpu.memref_slice %arg4[%add3A_4] : memref<8192xi32, #tpu.memory_space<hbm>> -> memref<64xi32, #tpu.memory_space<hbm>>
    tpu.wait_dma2 semaphore(%arg8 : memref<!tpu.dma_semaphore, #tpu.memory_space<semaphore_mem>>) src(%dma_wait3A_38 : memref<64xi32, #tpu.memory_space<hbm>>) dst(%dma_wait3A_37 : memref<64xi32, #tpu.memory_space<vmem>>)
    %dma_start3A_39 = arith.constant 0 : i32
    %dma_start3A_40 = arith.constant 0 : i32
    %dma_start3A_41 = tpu.memref_slice %arg7[%dma_start3A_39, %dma_start3A_40] : memref<256x128xf32, #tpu.memory_space<vmem>> -> memref<64x128xf32, #tpu.memory_space<vmem>>
    %dma_start3A_42 = arith.constant 0 : i32
    %dma_start3A_43 = tpu.memref_slice %arg6[%dma_start3A_42] : memref<256xi32, #tpu.memory_space<vmem>> -> memref<64xi32, #tpu.memory_space<vmem>>
    %dma_start3A_44 = arith.constant 0 : i32
    %dma_start3A_45 = arith.constant 0 : i32
    %dma_start3A_46 = tpu.memref_slice %arg2[%dma_start3A_44, %dma_start3A_45] : memref<100000x128xf32, #tpu.memory_space<hbm>> -> memref<100000x128xf32, #tpu.memory_space<hbm>>
    tpu.enqueue_indirect_dma source(%dma_start3A_46 : memref<100000x128xf32, #tpu.memory_space<hbm>>) target(%dma_start3A_41 : memref<64x128xf32, #tpu.memory_space<vmem>>) offsets(%dma_start3A_43 : memref<64xi32, #tpu.memory_space<vmem>>) semaphore(%arg9 : memref<!tpu.dma_semaphore, #tpu.memory_space<semaphore_mem>>)
    %dma_wait3A_47 = arith.constant 64 : i32
    %dma_wait3A_48 = tpu.memref_slice %arg6[%dma_wait3A_47] : memref<256xi32, #tpu.memory_space<vmem>> -> memref<64xi32, #tpu.memory_space<vmem>>
    %dma_wait3A_49 = tpu.memref_slice %arg4[%add3A_11] : memref<8192xi32, #tpu.memory_space<hbm>> -> memref<64xi32, #tpu.memory_space<hbm>>
    %dma_wait3A_50 = arith.constant 64 : i32
    %dma_wait3A_51 = tpu.memref_slice %arg6[%dma_wait3A_50] : memref<256xi32, #tpu.memory_space<vmem>> -> memref<64xi32, #tpu.memory_space<vmem>>
    %dma_wait3A_52 = tpu.memref_slice %arg4[%add3A_11] : memref<8192xi32, #tpu.memory_space<hbm>> -> memref<64xi32, #tpu.memory_space<hbm>>
    tpu.wait_dma2 semaphore(%arg8 : memref<!tpu.dma_semaphore, #tpu.memory_space<semaphore_mem>>) src(%dma_wait3A_52 : memref<64xi32, #tpu.memory_space<hbm>>) dst(%dma_wait3A_51 : memref<64xi32, #tpu.memory_space<vmem>>)
    %dma_start3A_53 = arith.constant 64 : i32
    %dma_start3A_54 = arith.constant 0 : i32
    %dma_start3A_55 = tpu.memref_slice %arg7[%dma_start3A_53, %dma_start3A_54] : memref<256x128xf32, #tpu.memory_space<vmem>> -> memref<64x128xf32, #tpu.memory_space<vmem>>
    %dma_start3A_56 = arith.constant 64 : i32
    %dma_start3A_57 = tpu.memref_slice %arg6[%dma_start3A_56] : memref<256xi32, #tpu.memory_space<vmem>> -> memref<64xi32, #tpu.memory_space<vmem>>
    %dma_start3A_58 = arith.constant 0 : i32
    %dma_start3A_59 = arith.constant 0 : i32
    %dma_start3A_60 = tpu.memref_slice %arg2[%dma_start3A_58, %dma_start3A_59] : memref<100000x128xf32, #tpu.memory_space<hbm>> -> memref<100000x128xf32, #tpu.memory_space<hbm>>
    tpu.enqueue_indirect_dma source(%dma_start3A_60 : memref<100000x128xf32, #tpu.memory_space<hbm>>) target(%dma_start3A_55 : memref<64x128xf32, #tpu.memory_space<vmem>>) offsets(%dma_start3A_57 : memref<64xi32, #tpu.memory_space<vmem>>) semaphore(%arg9 : memref<!tpu.dma_semaphore, #tpu.memory_space<semaphore_mem>>)
    %dma_wait3A_61 = arith.constant 128 : i32
    %dma_wait3A_62 = tpu.memref_slice %arg6[%dma_wait3A_61] : memref<256xi32, #tpu.memory_space<vmem>> -> memref<64xi32, #tpu.memory_space<vmem>>
    %dma_wait3A_63 = tpu.memref_slice %arg4[%add3A_19] : memref<8192xi32, #tpu.memory_space<hbm>> -> memref<64xi32, #tpu.memory_space<hbm>>
    %dma_wait3A_64 = arith.constant 128 : i32
    %dma_wait3A_65 = tpu.memref_slice %arg6[%dma_wait3A_64] : memref<256xi32, #tpu.memory_space<vmem>> -> memref<64xi32, #tpu.memory_space<vmem>>
    %dma_wait3A_66 = tpu.memref_slice %arg4[%add3A_19] : memref<8192xi32, #tpu.memory_space<hbm>> -> memref<64xi32, #tpu.memory_space<hbm>>
    tpu.wait_dma2 semaphore(%arg8 : memref<!tpu.dma_semaphore, #tpu.memory_space<semaphore_mem>>) src(%dma_wait3A_66 : memref<64xi32, #tpu.memory_space<hbm>>) dst(%dma_wait3A_65 : memref<64xi32, #tpu.memory_space<vmem>>)
    %dma_start3A_67 = arith.constant 128 : i32
    %dma_start3A_68 = arith.constant 0 : i32
    %dma_start3A_69 = tpu.memref_slice %arg7[%dma_start3A_67, %dma_start3A_68] : memref<256x128xf32, #tpu.memory_space<vmem>> -> memref<64x128xf32, #tpu.memory_space<vmem>>
    %dma_start3A_70 = arith.constant 128 : i32
    %dma_start3A_71 = tpu.memref_slice %arg6[%dma_start3A_70] : memref<256xi32, #tpu.memory_space<vmem>> -> memref<64xi32, #tpu.memory_space<vmem>>
    %dma_start3A_72 = arith.constant 0 : i32
    %dma_start3A_73 = arith.constant 0 : i32
    %dma_start3A_74 = tpu.memref_slice %arg2[%dma_start3A_72, %dma_start3A_73] : memref<100000x128xf32, #tpu.memory_space<hbm>> -> memref<100000x128xf32, #tpu.memory_space<hbm>>
    tpu.enqueue_indirect_dma source(%dma_start3A_74 : memref<100000x128xf32, #tpu.memory_space<hbm>>) target(%dma_start3A_69 : memref<64x128xf32, #tpu.memory_space<vmem>>) offsets(%dma_start3A_71 : memref<64xi32, #tpu.memory_space<vmem>>) semaphore(%arg9 : memref<!tpu.dma_semaphore, #tpu.memory_space<semaphore_mem>>)
    %dma_wait3A_75 = arith.constant 192 : i32
    %dma_wait3A_76 = tpu.memref_slice %arg6[%dma_wait3A_75] : memref<256xi32, #tpu.memory_space<vmem>> -> memref<64xi32, #tpu.memory_space<vmem>>
    %dma_wait3A_77 = tpu.memref_slice %arg4[%add3A_27] : memref<8192xi32, #tpu.memory_space<hbm>> -> memref<64xi32, #tpu.memory_space<hbm>>
    %dma_wait3A_78 = arith.constant 192 : i32
    %dma_wait3A_79 = tpu.memref_slice %arg6[%dma_wait3A_78] : memref<256xi32, #tpu.memory_space<vmem>> -> memref<64xi32, #tpu.memory_space<vmem>>
    %dma_wait3A_80 = tpu.memref_slice %arg4[%add3A_27] : memref<8192xi32, #tpu.memory_space<hbm>> -> memref<64xi32, #tpu.memory_space<hbm>>
    tpu.wait_dma2 semaphore(%arg8 : memref<!tpu.dma_semaphore, #tpu.memory_space<semaphore_mem>>) src(%dma_wait3A_80 : memref<64xi32, #tpu.memory_space<hbm>>) dst(%dma_wait3A_79 : memref<64xi32, #tpu.memory_space<vmem>>)
    %dma_start3A_81 = arith.constant 192 : i32
    %dma_start3A_82 = arith.constant 0 : i32
    %dma_start3A_83 = tpu.memref_slice %arg7[%dma_start3A_81, %dma_start3A_82] : memref<256x128xf32, #tpu.memory_space<vmem>> -> memref<64x128xf32, #tpu.memory_space<vmem>>
    %dma_start3A_84 = arith.constant 192 : i32
    %dma_start3A_85 = tpu.memref_slice %arg6[%dma_start3A_84] : memref<256xi32, #tpu.memory_space<vmem>> -> memref<64xi32, #tpu.memory_space<vmem>>
    %dma_start3A_86 = arith.constant 0 : i32
    %dma_start3A_87 = arith.constant 0 : i32
    %dma_start3A_88 = tpu.memref_slice %arg2[%dma_start3A_86, %dma_start3A_87] : memref<100000x128xf32, #tpu.memory_space<hbm>> -> memref<100000x128xf32, #tpu.memory_space<hbm>>
    tpu.enqueue_indirect_dma source(%dma_start3A_88 : memref<100000x128xf32, #tpu.memory_space<hbm>>) target(%dma_start3A_83 : memref<64x128xf32, #tpu.memory_space<vmem>>) offsets(%dma_start3A_85 : memref<64xi32, #tpu.memory_space<vmem>>) semaphore(%arg9 : memref<!tpu.dma_semaphore, #tpu.memory_space<semaphore_mem>>)
    %dma_wait3A_89 = arith.constant 0 : i32
    %dma_wait3A_90 = arith.constant 0 : i32
    %dma_wait3A_91 = tpu.memref_slice %arg7[%dma_wait3A_89, %dma_wait3A_90] : memref<256x128xf32, #tpu.memory_space<vmem>> -> memref<64x128xf32, #tpu.memory_space<vmem>>
    %dma_wait3A_92 = arith.constant 0 : i32
    %dma_wait3A_93 = tpu.memref_slice %arg6[%dma_wait3A_92] : memref<256xi32, #tpu.memory_space<vmem>> -> memref<64xi32, #tpu.memory_space<vmem>>
    %dma_wait3A_94 = arith.constant 0 : i32
    %dma_wait3A_95 = arith.constant 0 : i32
    %dma_wait3A_96 = tpu.memref_slice %arg2[%dma_wait3A_94, %dma_wait3A_95] : memref<100000x128xf32, #tpu.memory_space<hbm>> -> memref<100000x128xf32, #tpu.memory_space<hbm>>
    tpu.wait_indirect_dma semaphore(%arg9 : memref<!tpu.dma_semaphore, #tpu.memory_space<semaphore_mem>>) src(%dma_wait3A_96 : memref<100000x128xf32, #tpu.memory_space<hbm>>) dst(%dma_wait3A_91 : memref<64x128xf32, #tpu.memory_space<vmem>>)
    %dma_start3A_97 = arith.constant 0 : i32
    %dma_start3A_98 = arith.constant 0 : i32
    %dma_start3A_99 = tpu.memref_slice %arg7[%dma_start3A_97, %dma_start3A_98] : memref<256x128xf32, #tpu.memory_space<vmem>> -> memref<64x128xf32, #tpu.memory_space<vmem>>
    %dma_start3A_100 = arith.constant 0 : i32
    %dma_start3A_101 = tpu.memref_slice %arg6[%dma_start3A_100] : memref<256xi32, #tpu.memory_space<vmem>> -> memref<64xi32, #tpu.memory_space<vmem>>
    %dma_start3A_102 = arith.constant 0 : i32
    %dma_start3A_103 = arith.constant 0 : i32
    %dma_start3A_104 = tpu.memref_slice %arg3[%dma_start3A_102, %dma_start3A_103] : memref<100000x128xf32, #tpu.memory_space<hbm>> -> memref<100000x128xf32, #tpu.memory_space<hbm>>
    tpu.enqueue_indirect_dma source(%dma_start3A_104 : memref<100000x128xf32, #tpu.memory_space<hbm>>) target(%dma_start3A_99 : memref<64x128xf32, #tpu.memory_space<vmem>>) offsets(%dma_start3A_101 : memref<64xi32, #tpu.memory_space<vmem>>) semaphore(%arg10 : memref<!tpu.dma_semaphore, #tpu.memory_space<semaphore_mem>>) {add = true}
    %dma_wait3A_105 = arith.constant 64 : i32
    %dma_wait3A_106 = arith.constant 0 : i32
    %dma_wait3A_107 = tpu.memref_slice %arg7[%dma_wait3A_105, %dma_wait3A_106] : memref<256x128xf32, #tpu.memory_space<vmem>> -> memref<64x128xf32, #tpu.memory_space<vmem>>
    %dma_wait3A_108 = arith.constant 64 : i32
    %dma_wait3A_109 = tpu.memref_slice %arg6[%dma_wait3A_108] : memref<256xi32, #tpu.memory_space<vmem>> -> memref<64xi32, #tpu.memory_space<vmem>>
    %dma_wait3A_110 = arith.constant 0 : i32
    %dma_wait3A_111 = arith.constant 0 : i32
    %dma_wait3A_112 = tpu.memref_slice %arg2[%dma_wait3A_110, %dma_wait3A_111] : memref<100000x128xf32, #tpu.memory_space<hbm>> -> memref<100000x128xf32, #tpu.memory_space<hbm>>
    tpu.wait_indirect_dma semaphore(%arg9 : memref<!tpu.dma_semaphore, #tpu.memory_space<semaphore_mem>>) src(%dma_wait3A_112 : memref<100000x128xf32, #tpu.memory_space<hbm>>) dst(%dma_wait3A_107 : memref<64x128xf32, #tpu.memory_space<vmem>>)
    %dma_start3A_113 = arith.constant 64 : i32
    %dma_start3A_114 = arith.constant 0 : i32
    %dma_start3A_115 = tpu.memref_slice %arg7[%dma_start3A_113, %dma_start3A_114] : memref<256x128xf32, #tpu.memory_space<vmem>> -> memref<64x128xf32, #tpu.memory_space<vmem>>
    %dma_start3A_116 = arith.constant 64 : i32
    %dma_start3A_117 = tpu.memref_slice %arg6[%dma_start3A_116] : memref<256xi32, #tpu.memory_space<vmem>> -> memref<64xi32, #tpu.memory_space<vmem>>
    %dma_start3A_118 = arith.constant 0 : i32
    %dma_start3A_119 = arith.constant 0 : i32
    %dma_start3A_120 = tpu.memref_slice %arg3[%dma_start3A_118, %dma_start3A_119] : memref<100000x128xf32, #tpu.memory_space<hbm>> -> memref<100000x128xf32, #tpu.memory_space<hbm>>
    tpu.enqueue_indirect_dma source(%dma_start3A_120 : memref<100000x128xf32, #tpu.memory_space<hbm>>) target(%dma_start3A_115 : memref<64x128xf32, #tpu.memory_space<vmem>>) offsets(%dma_start3A_117 : memref<64xi32, #tpu.memory_space<vmem>>) semaphore(%arg10 : memref<!tpu.dma_semaphore, #tpu.memory_space<semaphore_mem>>) {add = true}
    %dma_wait3A_121 = arith.constant 128 : i32
    %dma_wait3A_122 = arith.constant 0 : i32
    %dma_wait3A_123 = tpu.memref_slice %arg7[%dma_wait3A_121, %dma_wait3A_122] : memref<256x128xf32, #tpu.memory_space<vmem>> -> memref<64x128xf32, #tpu.memory_space<vmem>>
    %dma_wait3A_124 = arith.constant 128 : i32
    %dma_wait3A_125 = tpu.memref_slice %arg6[%dma_wait3A_124] : memref<256xi32, #tpu.memory_space<vmem>> -> memref<64xi32, #tpu.memory_space<vmem>>
    %dma_wait3A_126 = arith.constant 0 : i32
    %dma_wait3A_127 = arith.constant 0 : i32
    %dma_wait3A_128 = tpu.memref_slice %arg2[%dma_wait3A_126, %dma_wait3A_127] : memref<100000x128xf32, #tpu.memory_space<hbm>> -> memref<100000x128xf32, #tpu.memory_space<hbm>>
    tpu.wait_indirect_dma semaphore(%arg9 : memref<!tpu.dma_semaphore, #tpu.memory_space<semaphore_mem>>) src(%dma_wait3A_128 : memref<100000x128xf32, #tpu.memory_space<hbm>>) dst(%dma_wait3A_123 : memref<64x128xf32, #tpu.memory_space<vmem>>)
    %dma_start3A_129 = arith.constant 128 : i32
    %dma_start3A_130 = arith.constant 0 : i32
    %dma_start3A_131 = tpu.memref_slice %arg7[%dma_start3A_129, %dma_start3A_130] : memref<256x128xf32, #tpu.memory_space<vmem>> -> memref<64x128xf32, #tpu.memory_space<vmem>>
    %dma_start3A_132 = arith.constant 128 : i32
    %dma_start3A_133 = tpu.memref_slice %arg6[%dma_start3A_132] : memref<256xi32, #tpu.memory_space<vmem>> -> memref<64xi32, #tpu.memory_space<vmem>>
    %dma_start3A_134 = arith.constant 0 : i32
    %dma_start3A_135 = arith.constant 0 : i32
    %dma_start3A_136 = tpu.memref_slice %arg3[%dma_start3A_134, %dma_start3A_135] : memref<100000x128xf32, #tpu.memory_space<hbm>> -> memref<100000x128xf32, #tpu.memory_space<hbm>>
    tpu.enqueue_indirect_dma source(%dma_start3A_136 : memref<100000x128xf32, #tpu.memory_space<hbm>>) target(%dma_start3A_131 : memref<64x128xf32, #tpu.memory_space<vmem>>) offsets(%dma_start3A_133 : memref<64xi32, #tpu.memory_space<vmem>>) semaphore(%arg10 : memref<!tpu.dma_semaphore, #tpu.memory_space<semaphore_mem>>) {add = true}
    %dma_wait3A_137 = arith.constant 192 : i32
    %dma_wait3A_138 = arith.constant 0 : i32
    %dma_wait3A_139 = tpu.memref_slice %arg7[%dma_wait3A_137, %dma_wait3A_138] : memref<256x128xf32, #tpu.memory_space<vmem>> -> memref<64x128xf32, #tpu.memory_space<vmem>>
    %dma_wait3A_140 = arith.constant 192 : i32
    %dma_wait3A_141 = tpu.memref_slice %arg6[%dma_wait3A_140] : memref<256xi32, #tpu.memory_space<vmem>> -> memref<64xi32, #tpu.memory_space<vmem>>
    %dma_wait3A_142 = arith.constant 0 : i32
    %dma_wait3A_143 = arith.constant 0 : i32
    %dma_wait3A_144 = tpu.memref_slice %arg2[%dma_wait3A_142, %dma_wait3A_143] : memref<100000x128xf32, #tpu.memory_space<hbm>> -> memref<100000x128xf32, #tpu.memory_space<hbm>>
    tpu.wait_indirect_dma semaphore(%arg9 : memref<!tpu.dma_semaphore, #tpu.memory_space<semaphore_mem>>) src(%dma_wait3A_144 : memref<100000x128xf32, #tpu.memory_space<hbm>>) dst(%dma_wait3A_139 : memref<64x128xf32, #tpu.memory_space<vmem>>)
    %dma_start3A_145 = arith.constant 192 : i32
    %dma_start3A_146 = arith.constant 0 : i32
    %dma_start3A_147 = tpu.memref_slice %arg7[%dma_start3A_145, %dma_start3A_146] : memref<256x128xf32, #tpu.memory_space<vmem>> -> memref<64x128xf32, #tpu.memory_space<vmem>>
    %dma_start3A_148 = arith.constant 192 : i32
    %dma_start3A_149 = tpu.memref_slice %arg6[%dma_start3A_148] : memref<256xi32, #tpu.memory_space<vmem>> -> memref<64xi32, #tpu.memory_space<vmem>>
    %dma_start3A_150 = arith.constant 0 : i32
    %dma_start3A_151 = arith.constant 0 : i32
    %dma_start3A_152 = tpu.memref_slice %arg3[%dma_start3A_150, %dma_start3A_151] : memref<100000x128xf32, #tpu.memory_space<hbm>> -> memref<100000x128xf32, #tpu.memory_space<hbm>>
    tpu.enqueue_indirect_dma source(%dma_start3A_152 : memref<100000x128xf32, #tpu.memory_space<hbm>>) target(%dma_start3A_147 : memref<64x128xf32, #tpu.memory_space<vmem>>) offsets(%dma_start3A_149 : memref<64xi32, #tpu.memory_space<vmem>>) semaphore(%arg10 : memref<!tpu.dma_semaphore, #tpu.memory_space<semaphore_mem>>) {add = true}
    %dma_wait3A_153 = arith.constant 0 : i32
    %dma_wait3A_154 = arith.constant 0 : i32
    %dma_wait3A_155 = tpu.memref_slice %arg7[%dma_wait3A_153, %dma_wait3A_154] : memref<256x128xf32, #tpu.memory_space<vmem>> -> memref<64x128xf32, #tpu.memory_space<vmem>>
    %dma_wait3A_156 = arith.constant 0 : i32
    %dma_wait3A_157 = tpu.memref_slice %arg6[%dma_wait3A_156] : memref<256xi32, #tpu.memory_space<vmem>> -> memref<64xi32, #tpu.memory_space<vmem>>
    %dma_wait3A_158 = arith.constant 0 : i32
    %dma_wait3A_159 = arith.constant 0 : i32
    %dma_wait3A_160 = tpu.memref_slice %arg3[%dma_wait3A_158, %dma_wait3A_159] : memref<100000x128xf32, #tpu.memory_space<hbm>> -> memref<100000x128xf32, #tpu.memory_space<hbm>>
    tpu.wait_indirect_dma semaphore(%arg10 : memref<!tpu.dma_semaphore, #tpu.memory_space<semaphore_mem>>) src(%dma_wait3A_160 : memref<100000x128xf32, #tpu.memory_space<hbm>>) dst(%dma_wait3A_155 : memref<64x128xf32, #tpu.memory_space<vmem>>)
    %add3A_161 = arith.constant 0 : i32
    %add3A_162 = arith.addi %mul3A_2, %add3A_161 : i32
    %dma_start3A_163 = arith.constant 0 : i32
    %dma_start3A_164 = arith.constant 0 : i32
    %dma_start3A_165 = tpu.memref_slice %arg7[%dma_start3A_163, %dma_start3A_164] : memref<256x128xf32, #tpu.memory_space<vmem>> -> memref<64x128xf32, #tpu.memory_space<vmem>>
    %dma_start3A_166 = arith.constant 0 : i32
    %dma_start3A_167 = tpu.memref_slice %arg5[%add3A_162, %dma_start3A_166] : memref<8192x128xf32, #tpu.memory_space<hbm>> -> memref<64x128xf32, #tpu.memory_space<hbm>>
    %dma_start3A_168 = arith.constant 0 : i32
    %dma_start3A_169 = tpu.memref_slice %arg5[%add3A_162, %dma_start3A_168] : memref<8192x128xf32, #tpu.memory_space<hbm>> -> memref<64x128xf32, #tpu.memory_space<hbm>>
    %dma_start3A_170 = arith.constant 0 : i32
    %dma_start3A_171 = arith.constant 0 : i32
    %dma_start3A_172 = tpu.memref_slice %arg7[%dma_start3A_170, %dma_start3A_171] : memref<256x128xf32, #tpu.memory_space<vmem>> -> memref<64x128xf32, #tpu.memory_space<vmem>>
    tpu.enqueue_dma source(%dma_start3A_172 : memref<64x128xf32, #tpu.memory_space<vmem>>) target(%dma_start3A_169 : memref<64x128xf32, #tpu.memory_space<hbm>>) target_semaphore(%arg11 : memref<!tpu.dma_semaphore, #tpu.memory_space<semaphore_mem>>)
    %dma_wait3A_173 = arith.constant 64 : i32
    %dma_wait3A_174 = arith.constant 0 : i32
    %dma_wait3A_175 = tpu.memref_slice %arg7[%dma_wait3A_173, %dma_wait3A_174] : memref<256x128xf32, #tpu.memory_space<vmem>> -> memref<64x128xf32, #tpu.memory_space<vmem>>
    %dma_wait3A_176 = arith.constant 64 : i32
    %dma_wait3A_177 = tpu.memref_slice %arg6[%dma_wait3A_176] : memref<256xi32, #tpu.memory_space<vmem>> -> memref<64xi32, #tpu.memory_space<vmem>>
    %dma_wait3A_178 = arith.constant 0 : i32
    %dma_wait3A_179 = arith.constant 0 : i32
    %dma_wait3A_180 = tpu.memref_slice %arg3[%dma_wait3A_178, %dma_wait3A_179] : memref<100000x128xf32, #tpu.memory_space<hbm>> -> memref<100000x128xf32, #tpu.memory_space<hbm>>
    tpu.wait_indirect_dma semaphore(%arg10 : memref<!tpu.dma_semaphore, #tpu.memory_space<semaphore_mem>>) src(%dma_wait3A_180 : memref<100000x128xf32, #tpu.memory_space<hbm>>) dst(%dma_wait3A_175 : memref<64x128xf32, #tpu.memory_space<vmem>>)
    %add3A_181 = arith.constant 64 : i32
    %add3A_182 = arith.addi %mul3A_2, %add3A_181 : i32
    %dma_start3A_183 = arith.constant 64 : i32
    %dma_start3A_184 = arith.constant 0 : i32
    %dma_start3A_185 = tpu.memref_slice %arg7[%dma_start3A_183, %dma_start3A_184] : memref<256x128xf32, #tpu.memory_space<vmem>> -> memref<64x128xf32, #tpu.memory_space<vmem>>
    %dma_start3A_186 = arith.constant 0 : i32
    %dma_start3A_187 = tpu.memref_slice %arg5[%add3A_182, %dma_start3A_186] : memref<8192x128xf32, #tpu.memory_space<hbm>> -> memref<64x128xf32, #tpu.memory_space<hbm>>
    %dma_start3A_188 = arith.constant 0 : i32
    %dma_start3A_189 = tpu.memref_slice %arg5[%add3A_182, %dma_start3A_188] : memref<8192x128xf32, #tpu.memory_space<hbm>> -> memref<64x128xf32, #tpu.memory_space<hbm>>
    %dma_start3A_190 = arith.constant 64 : i32
    %dma_start3A_191 = arith.constant 0 : i32
    %dma_start3A_192 = tpu.memref_slice %arg7[%dma_start3A_190, %dma_start3A_191] : memref<256x128xf32, #tpu.memory_space<vmem>> -> memref<64x128xf32, #tpu.memory_space<vmem>>
    tpu.enqueue_dma source(%dma_start3A_192 : memref<64x128xf32, #tpu.memory_space<vmem>>) target(%dma_start3A_189 : memref<64x128xf32, #tpu.memory_space<hbm>>) target_semaphore(%arg11 : memref<!tpu.dma_semaphore, #tpu.memory_space<semaphore_mem>>)
    %dma_wait3A_193 = arith.constant 128 : i32
    %dma_wait3A_194 = arith.constant 0 : i32
    %dma_wait3A_195 = tpu.memref_slice %arg7[%dma_wait3A_193, %dma_wait3A_194] : memref<256x128xf32, #tpu.memory_space<vmem>> -> memref<64x128xf32, #tpu.memory_space<vmem>>
    %dma_wait3A_196 = arith.constant 128 : i32
    %dma_wait3A_197 = tpu.memref_slice %arg6[%dma_wait3A_196] : memref<256xi32, #tpu.memory_space<vmem>> -> memref<64xi32, #tpu.memory_space<vmem>>
    %dma_wait3A_198 = arith.constant 0 : i32
    %dma_wait3A_199 = arith.constant 0 : i32
    %dma_wait3A_200 = tpu.memref_slice %arg3[%dma_wait3A_198, %dma_wait3A_199] : memref<100000x128xf32, #tpu.memory_space<hbm>> -> memref<100000x128xf32, #tpu.memory_space<hbm>>
    tpu.wait_indirect_dma semaphore(%arg10 : memref<!tpu.dma_semaphore, #tpu.memory_space<semaphore_mem>>) src(%dma_wait3A_200 : memref<100000x128xf32, #tpu.memory_space<hbm>>) dst(%dma_wait3A_195 : memref<64x128xf32, #tpu.memory_space<vmem>>)
    %add3A_201 = arith.constant 128 : i32
    %add3A_202 = arith.addi %mul3A_2, %add3A_201 : i32
    %dma_start3A_203 = arith.constant 128 : i32
    %dma_start3A_204 = arith.constant 0 : i32
    %dma_start3A_205 = tpu.memref_slice %arg7[%dma_start3A_203, %dma_start3A_204] : memref<256x128xf32, #tpu.memory_space<vmem>> -> memref<64x128xf32, #tpu.memory_space<vmem>>
    %dma_start3A_206 = arith.constant 0 : i32
    %dma_start3A_207 = tpu.memref_slice %arg5[%add3A_202, %dma_start3A_206] : memref<8192x128xf32, #tpu.memory_space<hbm>> -> memref<64x128xf32, #tpu.memory_space<hbm>>
    %dma_start3A_208 = arith.constant 0 : i32
    %dma_start3A_209 = tpu.memref_slice %arg5[%add3A_202, %dma_start3A_208] : memref<8192x128xf32, #tpu.memory_space<hbm>> -> memref<64x128xf32, #tpu.memory_space<hbm>>
    %dma_start3A_210 = arith.constant 128 : i32
    %dma_start3A_211 = arith.constant 0 : i32
    %dma_start3A_212 = tpu.memref_slice %arg7[%dma_start3A_210, %dma_start3A_211] : memref<256x128xf32, #tpu.memory_space<vmem>> -> memref<64x128xf32, #tpu.memory_space<vmem>>
    tpu.enqueue_dma source(%dma_start3A_212 : memref<64x128xf32, #tpu.memory_space<vmem>>) target(%dma_start3A_209 : memref<64x128xf32, #tpu.memory_space<hbm>>) target_semaphore(%arg11 : memref<!tpu.dma_semaphore, #tpu.memory_space<semaphore_mem>>)
    %dma_wait3A_213 = arith.constant 192 : i32
    %dma_wait3A_214 = arith.constant 0 : i32
    %dma_wait3A_215 = tpu.memref_slice %arg7[%dma_wait3A_213, %dma_wait3A_214] : memref<256x128xf32, #tpu.memory_space<vmem>> -> memref<64x128xf32, #tpu.memory_space<vmem>>
    %dma_wait3A_216 = arith.constant 192 : i32
    %dma_wait3A_217 = tpu.memref_slice %arg6[%dma_wait3A_216] : memref<256xi32, #tpu.memory_space<vmem>> -> memref<64xi32, #tpu.memory_space<vmem>>
    %dma_wait3A_218 = arith.constant 0 : i32
    %dma_wait3A_219 = arith.constant 0 : i32
    %dma_wait3A_220 = tpu.memref_slice %arg3[%dma_wait3A_218, %dma_wait3A_219] : memref<100000x128xf32, #tpu.memory_space<hbm>> -> memref<100000x128xf32, #tpu.memory_space<hbm>>
    tpu.wait_indirect_dma semaphore(%arg10 : memref<!tpu.dma_semaphore, #tpu.memory_space<semaphore_mem>>) src(%dma_wait3A_220 : memref<100000x128xf32, #tpu.memory_space<hbm>>) dst(%dma_wait3A_215 : memref<64x128xf32, #tpu.memory_space<vmem>>)
    %add3A_221 = arith.constant 192 : i32
    %add3A_222 = arith.addi %mul3A_2, %add3A_221 : i32
    %dma_start3A_223 = arith.constant 192 : i32
    %dma_start3A_224 = arith.constant 0 : i32
    %dma_start3A_225 = tpu.memref_slice %arg7[%dma_start3A_223, %dma_start3A_224] : memref<256x128xf32, #tpu.memory_space<vmem>> -> memref<64x128xf32, #tpu.memory_space<vmem>>
    %dma_start3A_226 = arith.constant 0 : i32
    %dma_start3A_227 = tpu.memref_slice %arg5[%add3A_222, %dma_start3A_226] : memref<8192x128xf32, #tpu.memory_space<hbm>> -> memref<64x128xf32, #tpu.memory_space<hbm>>
    %dma_start3A_228 = arith.constant 0 : i32
    %dma_start3A_229 = tpu.memref_slice %arg5[%add3A_222, %dma_start3A_228] : memref<8192x128xf32, #tpu.memory_space<hbm>> -> memref<64x128xf32, #tpu.memory_space<hbm>>
    %dma_start3A_230 = arith.constant 192 : i32
    %dma_start3A_231 = arith.constant 0 : i32
    %dma_start3A_232 = tpu.memref_slice %arg7[%dma_start3A_230, %dma_start3A_231] : memref<256x128xf32, #tpu.memory_space<vmem>> -> memref<64x128xf32, #tpu.memory_space<vmem>>
    tpu.enqueue_dma source(%dma_start3A_232 : memref<64x128xf32, #tpu.memory_space<vmem>>) target(%dma_start3A_229 : memref<64x128xf32, #tpu.memory_space<hbm>>) target_semaphore(%arg11 : memref<!tpu.dma_semaphore, #tpu.memory_space<semaphore_mem>>)
    %dma_wait3A_233 = arith.constant 0 : i32
    %dma_wait3A_234 = arith.constant 0 : i32
    %dma_wait3A_235 = tpu.memref_slice %arg7[%dma_wait3A_233, %dma_wait3A_234] : memref<256x128xf32, #tpu.memory_space<vmem>> -> memref<64x128xf32, #tpu.memory_space<vmem>>
    %dma_wait3A_236 = arith.constant 0 : i32
    %dma_wait3A_237 = tpu.memref_slice %arg5[%add3A_162, %dma_wait3A_236] : memref<8192x128xf32, #tpu.memory_space<hbm>> -> memref<64x128xf32, #tpu.memory_space<hbm>>
    %dma_wait3A_238 = arith.constant 0 : i32
    %dma_wait3A_239 = tpu.memref_slice %arg5[%add3A_162, %dma_wait3A_238] : memref<8192x128xf32, #tpu.memory_space<hbm>> -> memref<64x128xf32, #tpu.memory_space<hbm>>
    %dma_wait3A_240 = arith.constant 0 : i32
    %dma_wait3A_241 = arith.constant 0 : i32
    %dma_wait3A_242 = tpu.memref_slice %arg7[%dma_wait3A_240, %dma_wait3A_241] : memref<256x128xf32, #tpu.memory_space<vmem>> -> memref<64x128xf32, #tpu.memory_space<vmem>>
    tpu.wait_dma2 semaphore(%arg11 : memref<!tpu.dma_semaphore, #tpu.memory_space<semaphore_mem>>) src(%dma_wait3A_242 : memref<64x128xf32, #tpu.memory_space<vmem>>) dst(%dma_wait3A_239 : memref<64x128xf32, #tpu.memory_space<hbm>>)
    %dma_wait3A_243 = arith.constant 64 : i32
    %dma_wait3A_244 = arith.constant 0 : i32
    %dma_wait3A_245 = tpu.memref_slice %arg7[%dma_wait3A_243, %dma_wait3A_244] : memref<256x128xf32, #tpu.memory_space<vmem>> -> memref<64x128xf32, #tpu.memory_space<vmem>>
    %dma_wait3A_246 = arith.constant 0 : i32
    %dma_wait3A_247 = tpu.memref_slice %arg5[%add3A_182, %dma_wait3A_246] : memref<8192x128xf32, #tpu.memory_space<hbm>> -> memref<64x128xf32, #tpu.memory_space<hbm>>
    %dma_wait3A_248 = arith.constant 0 : i32
    %dma_wait3A_249 = tpu.memref_slice %arg5[%add3A_182, %dma_wait3A_248] : memref<8192x128xf32, #tpu.memory_space<hbm>> -> memref<64x128xf32, #tpu.memory_space<hbm>>
    %dma_wait3A_250 = arith.constant 64 : i32
    %dma_wait3A_251 = arith.constant 0 : i32
    %dma_wait3A_252 = tpu.memref_slice %arg7[%dma_wait3A_250, %dma_wait3A_251] : memref<256x128xf32, #tpu.memory_space<vmem>> -> memref<64x128xf32, #tpu.memory_space<vmem>>
    tpu.wait_dma2 semaphore(%arg11 : memref<!tpu.dma_semaphore, #tpu.memory_space<semaphore_mem>>) src(%dma_wait3A_252 : memref<64x128xf32, #tpu.memory_space<vmem>>) dst(%dma_wait3A_249 : memref<64x128xf32, #tpu.memory_space<hbm>>)
    %dma_wait3A_253 = arith.constant 128 : i32
    %dma_wait3A_254 = arith.constant 0 : i32
    %dma_wait3A_255 = tpu.memref_slice %arg7[%dma_wait3A_253, %dma_wait3A_254] : memref<256x128xf32, #tpu.memory_space<vmem>> -> memref<64x128xf32, #tpu.memory_space<vmem>>
    %dma_wait3A_256 = arith.constant 0 : i32
    %dma_wait3A_257 = tpu.memref_slice %arg5[%add3A_202, %dma_wait3A_256] : memref<8192x128xf32, #tpu.memory_space<hbm>> -> memref<64x128xf32, #tpu.memory_space<hbm>>
    %dma_wait3A_258 = arith.constant 0 : i32
    %dma_wait3A_259 = tpu.memref_slice %arg5[%add3A_202, %dma_wait3A_258] : memref<8192x128xf32, #tpu.memory_space<hbm>> -> memref<64x128xf32, #tpu.memory_space<hbm>>
    %dma_wait3A_260 = arith.constant 128 : i32
    %dma_wait3A_261 = arith.constant 0 : i32
    %dma_wait3A_262 = tpu.memref_slice %arg7[%dma_wait3A_260, %dma_wait3A_261] : memref<256x128xf32, #tpu.memory_space<vmem>> -> memref<64x128xf32, #tpu.memory_space<vmem>>
    tpu.wait_dma2 semaphore(%arg11 : memref<!tpu.dma_semaphore, #tpu.memory_space<semaphore_mem>>) src(%dma_wait3A_262 : memref<64x128xf32, #tpu.memory_space<vmem>>) dst(%dma_wait3A_259 : memref<64x128xf32, #tpu.memory_space<hbm>>)
    %dma_wait3A_263 = arith.constant 192 : i32
    %dma_wait3A_264 = arith.constant 0 : i32
    %dma_wait3A_265 = tpu.memref_slice %arg7[%dma_wait3A_263, %dma_wait3A_264] : memref<256x128xf32, #tpu.memory_space<vmem>> -> memref<64x128xf32, #tpu.memory_space<vmem>>
    %dma_wait3A_266 = arith.constant 0 : i32
    %dma_wait3A_267 = tpu.memref_slice %arg5[%add3A_222, %dma_wait3A_266] : memref<8192x128xf32, #tpu.memory_space<hbm>> -> memref<64x128xf32, #tpu.memory_space<hbm>>
    %dma_wait3A_268 = arith.constant 0 : i32
    %dma_wait3A_269 = tpu.memref_slice %arg5[%add3A_222, %dma_wait3A_268] : memref<8192x128xf32, #tpu.memory_space<hbm>> -> memref<64x128xf32, #tpu.memory_space<hbm>>
    %dma_wait3A_270 = arith.constant 192 : i32
    %dma_wait3A_271 = arith.constant 0 : i32
    %dma_wait3A_272 = tpu.memref_slice %arg7[%dma_wait3A_270, %dma_wait3A_271] : memref<256x128xf32, #tpu.memory_space<vmem>> -> memref<64x128xf32, #tpu.memory_space<vmem>>
    tpu.wait_dma2 semaphore(%arg11 : memref<!tpu.dma_semaphore, #tpu.memory_space<semaphore_mem>>) src(%dma_wait3A_272 : memref<64x128xf32, #tpu.memory_space<vmem>>) dst(%dma_wait3A_269 : memref<64x128xf32, #tpu.memory_space<hbm>>)
    return
  }
}

</mosaic_0001>

<sc_bundles>
// kernel: kernel.3.cloned.1.call-start
scs
__scs_entry_jumppad:
0x0: {  	(pc) =	sbr.rel $0x88, $3  }
0x1: {  	(tag) =	ssettag $0x0;
	lr =	simm.s32 $0x1  }
0x2: {  	[smem:$0x3F9E] =	sst lr;
	_ =	strace $0xD0000000  }
0x3: {  	_ = 	snop  }
0x4: {  	_ = 	snop  }
0x5: {  	_ = 	snop  }
0x6: {  	_ = 	snop  }
0x7: {  	_ = 	snop  }
__scs_overlays_trampoline_lowered:
0x8: {  	[smem:$0x3FAD] =	sst s0  }
0x9: {  	[smem:$0x3FAE] =	sst s1  }
0xa: {  	[smem:$0x3FAF] =	sst s2  }
0xb: {  	[smem:$0x3FB0] =	sst s3  }
0xc: {  	[smem:$0x3FB1] =	sst s4  }
0xd: {  	[smem:$0x3FB2] =	sst s5  }
0xe: {  	[smem:$0x3FB3] =	sst s6  }
0xf: {  	[smem:$0x3FB4] =	sst s7  }
0x10: {  	[smem:$0x3FB5] =	sst s8  }
0x11: {  	[smem:$0x3FB6] =	sst s9;
	s0 =	simm.s32 @!p0 $0x0  }
0x12: {  	s1 =	sld [smem:$0x3F9C];
	s0 =	simm.s32 @p0 $0x1  }
0x13: {  	[smem:$0x3FB7] =	sst s0;
	s0 =	simm.s32 @!p1 $0x0  }
0x14: {  	s2 =	sld [smem:$0x3F9B];
	s0 =	simm.s32 @p1 $0x1  }
0x15: {  	[smem:$0x3FB8] =	sst s0;
	s0 =	simm.s32 @!p2 $0x0  }
0x16: {  	s3 =	sld [smem:$0x3FDB];
	s0 =	simm.s32 @p2 $0x1  }
0x17: {  	s4 =	simm.s32 $0x1BF5;
	[smem:$0x3FBA] =	sst s0  }
0x18: {  	s0 =	sld [smem:$0x3F9D];
	_ =	swait.ge [sflag:s4], $0x0  }
0x19: {  	s7 =	sld [smem:$0x3F9E]  }
0x1a: {  	s8 =	sadd.s32 $0xFFFFE003, lr  }
0x1b: {  	s9 =	sadd.s32 $0xFFFFFEF7, lr;
	s5 =	simm.s32 $0xFFFFFFFF;
	p2 =	slt.u32 s8, $0xFFFFF086  }
0x1c: {  	p1 =	slt.u32 s9, $0xF7A;
	s5 =	simm.s32 @!p2 $0x0  }
0x1d: {  	s5 =	simm.s32 @p1 $0x1;
	p0 =	seq.s32 s7, s2  }
0x1e: {  	s7 =	smul.u32 @!p0 $0xF7A, s2;
	p2 =	seq.s32 @!p0 s5, $0x0  }
0x1f: {  	s9 =	smul.u32 $0xF7A, s1;
	s8 =	simm.s32 @!p0 $0x1BF5;
	p2 =	por !p2, p0  }
0x20: {  	[sflag:s8] =	ssyncset.s32 @!p0 $0xFFFFF086;
	s6 =	sadd.s32 @!p0 s3, s7;
	s7 =	simm.s32 @!p0 $0x108  }
0x21: {  	s3 =	sadd.s32 s3, s9;
	s6 =	sadd.s32 @!p0 $0x88, s6;
	s7 =	simm.s32 @p2 $0x1082  }
0x22: {  	[simem:s7], [sflag:s8] =	dma.local @!p0 [hbm:s6], $0xF7A  }
0x23: {  	s9 =	sor.u32 $0xD0000000, s2;
	s6 =	simm.s32 $0x108;
	_ =	swait.ge @!p0 [sflag:s8], $0x0  }
0x24: {  	s3 =	sadd.s32 $0x88, s3;
	s6 =	simm.s32 @!p1 $0x1082;
	[sflag:s4] =	ssyncset.s32 $0xFFFFF086  }
0x25: {  	[simem:s6], [sflag:s4] =	dma.local [hbm:s3], $0xF7A  }
0x26: {  	[smem:$0x3F9E] =	sst s1;
	(tag) =	ssettag s2;
	_ =	strace s9  }
0x27: {  	s1 =	sld [smem:$0x3FAE]  }
0x28: {  	s2 =	sld [smem:$0x3FAF]  }
0x29: {  	s4 =	sld [smem:$0x3FB1]  }
0x2a: {  	p0 =	seq.s32 s5, $0x0;
	s5 =	sld [smem:$0x3FB2]  }
0x2b: {  	s6 =	sld [smem:$0x3FB3]  }
0x2c: {  	s7 =	sld [smem:$0x3FB4]  }
0x2d: {  	s3 =	simm.s32 $0x108;
	s8 =	sld [smem:$0x3FB5]  }
0x2e: {  	s3 =	simm.s32 @!p0 $0x1082;
	s9 =	sld [smem:$0x3FB6]  }
0x2f: {  	lr =	sadd.s32 s0, s3;
	s0 =	sld [smem:$0x3FAD]  }
0x30: {  	s3 =	sld [smem:$0x3FB0]  }
0x31: {  	[smem:$0x3FB9] =	sst s10  }
0x32: {  	s10 =	sld [smem:$0x3FB7];
	_ =	sdelay $0x3  }
0x33: {  	p0 =	seq.s32 s10, $0x1;
	s10 =	sld [smem:$0x3FB9];
	_ =	sdelay $0x3  }
0x34: {  	[smem:$0x3FB9] =	sst s10  }
0x35: {  	s10 =	sld [smem:$0x3FB8];
	_ =	sdelay $0x3  }
0x36: {  	p1 =	seq.s32 s10, $0x1;
	s10 =	sld [smem:$0x3FB9];
	_ =	sdelay $0x3  }
0x37: {  	[smem:$0x3FB9] =	sst s10  }
0x38: {  	s10 =	sld [smem:$0x3FBA]  }
0x39: {  	_ = 	snop;
	(pc) =	sbr.ind lr, $3  }
0x3a: {  	_ = 	snop  }
0x3b: {  	_ = 	snop  }
0x3c: {  	p2 =	seq.s32 s10, $0x1;
	s10 =	sld [smem:$0x3FB9]  }
0x3d: {  	_ =	shalt  }
0x3e: {  	_ =	shalt  }
0x3f: {  	_ =	shalt  }
0x40: {  	_ =	shalt  }
0x41: {  	_ =	shalt  }
0x42: {  	_ =	shalt  }
0x43: {  	_ =	shalt  }
0x44: {  	_ =	shalt  }
0x45: {  	_ =	shalt  }
0x46: {  	_ =	shalt  }
0x47: {  	_ =	shalt  }
0x48: {  	_ =	shalt  }
0x49: {  	_ =	shalt  }
0x4a: {  	_ =	shalt  }
0x4b: {  	_ =	shalt  }
0x4c: {  	_ =	shalt  }
0x4d: {  	_ =	shalt  }
0x4e: {  	_ =	shalt  }
0x4f: {  	_ =	shalt  }
0x50: {  	_ =	shalt  }
0x51: {  	_ =	shalt  }
0x52: {  	_ =	shalt  }
0x53: {  	_ =	shalt  }
0x54: {  	_ =	shalt  }
0x55: {  	_ =	shalt  }
0x56: {  	_ =	shalt  }
0x57: {  	_ =	shalt  }
0x58: {  	_ =	shalt  }
0x59: {  	_ =	shalt  }
0x5a: {  	_ =	shalt  }
0x5b: {  	_ =	shalt  }
0x5c: {  	_ =	shalt  }
0x5d: {  	_ =	shalt  }
0x5e: {  	_ =	shalt  }
0x5f: {  	_ =	shalt  }
0x60: {  	_ =	shalt  }
0x61: {  	_ =	shalt  }
0x62: {  	_ =	shalt  }
0x63: {  	_ =	shalt  }
0x64: {  	_ =	shalt  }
0x65: {  	_ =	shalt  }
0x66: {  	_ =	shalt  }
0x67: {  	_ =	shalt  }
0x68: {  	_ =	shalt  }
0x69: {  	_ =	shalt  }
0x6a: {  	_ =	shalt  }
0x6b: {  	_ =	shalt  }
0x6c: {  	_ =	shalt  }
0x6d: {  	_ =	shalt  }
0x6e: {  	_ =	shalt  }
0x6f: {  	_ =	shalt  }
0x70: {  	_ =	shalt  }
0x71: {  	_ =	shalt  }
0x72: {  	_ =	shalt  }
0x73: {  	_ =	shalt  }
0x74: {  	_ =	shalt  }
0x75: {  	_ =	shalt  }
0x76: {  	_ =	shalt  }
0x77: {  	_ =	shalt  }
0x78: {  	_ =	shalt  }
0x79: {  	_ =	shalt  }
0x7a: {  	_ =	shalt  }
0x7b: {  	_ =	shalt  }
0x7c: {  	_ =	shalt  }
0x7d: {  	_ =	shalt  }
0x7e: {  	_ =	shalt  }
0x7f: {  	_ =	shalt  }
0x80: {  	_ =	shalt  }
0x81: {  	_ =	shalt  }
0x82: {  	_ =	shalt  }
0x83: {  	_ =	shalt  }
0x84: {  	_ =	shalt  }
0x85: {  	_ =	shalt  }
0x86: {  	_ =	shalt  }
0x87: {  	_ =	shalt  }
.Lfunc_end0:
.L_simem_size_0:
called_computation_lowered:
.L_overlay_start_0:
0x88: {  	s2 =	sld [smem:$0x3FD9]  }
0x89: {  	s3 =	sld [smem:$0x3FFE];
	_ =	sdelay $0x1  }
0x8a: {  	s1 =	srdreg.scid  }
0x8b: {  	s0 =	sand.u32 $0x1, s1  }
0x8c: {  	s18 =	sshll.u32 s0, $0xA;
	s2 =	sadd.s32 s3, s2  }
0x8d: {  	s2 =	sadd.s32 s2, s18  }
0x8e: {  	[smem:$0x3FC5] =	sst s2  }
0x8f: {  	_ = 	snop  }
0x90: {  	s2 =	sld [smem:$0x3FC9]  }
0x91: {  	s19 =	sld [smem:$0x3FC8]  }
0x92: {  	s4 =	sld [smem:$0x3FC7]  }
0x93: {  	s5 =	sld [smem:$0x3FD0];
	(tm) =	ssettm $0x1  }
0x94: {  	s6 =	sld [smem:$0x3FFB];
	_ =	sdelay $0x3  }
0x95: {  	_ =	strace s6  }
0x96: {  	s6 =	sld [smem:$0x3FFC];
	_ =	sdelay $0x3  }
0x97: {  	_ =	strace s6  }
0x98: {  	s6 =	sld [smem:$0x3FFD];
	_ =	sdelay $0x3  }
0x99: {  	_ =	strace s6  }
0x9a: {  	_ =	strace $0x8FFFFFFF  }
0x9b: {  	s20 =	sld [smem:$0x3FDB];
	_ =	sdelay $0x1  }
0x9c: {  	s7 =	simm.s32 $_scs_section_size  }
0x9d: {  	s8 =	simm.s32 $_size__tile_overlayer_lowered;
	s9 =	simm.s32 $_tile_overlayer_lowered  }
0x9e: {  	s23 =	simm.s32 $0x1BFF;
	s22 =	sshll.u32 s9, $0x1;
	s6 =	sadd.s32 s7, s20  }
0x9f: {  	s10 =	simm.s32 $0x0;
	s21 =	sshll.u32 s8, $0x1;
	s8 =	sadd.s32 s22, s6  }
0xa0: {  	[timem:s10], [sflag:s23] =	dma.local [hbm:s8], s21  }
0xa1: {  	_ =	swait.ge [sflag:s23], s21  }
0xa2: {  	s7 =	ssub.s32 $0x0, s21;
	[sflag:s23] =	ssyncset.done $0x0  }
0xa3: {  	[sflag:s23] =	ssyncadd.s32 s7;
	_ =	sdelay $0x1  }
0xa4: {  	s24 =	simm.s32 $0x1B8B  }
0xa5: {  	_ =	swait.ge [sflag:s24], $0x1  }
0xa6: {  	[sflag:s24] =	ssyncset.done $0x0  }
0xa7: {  	s25 =	simm.s32 $0x1B8E;
	[sflag:s24] =	ssyncadd.s32 $0xFFFFFFFF  }
0xa8: {  	s26 =	simm.s32 $execute0_lowered;
	[smem:$0x3FD2] =	sst s25  }
0xa9: {  	s7 =	sshll.u32 s26, $0x1;
	_ =	strace $0x80000046;
	[dreg:$0x1] =	wrdreg $0xFFFFFFFF  }
0xaa: {  	s28 =	simm.s32 $_size_execute0_lowered;
	s6 =	sadd.s32 s6, s7;
	[dreg:$0x0] =	wrdreg $0x0  }
0xab: {  	s7 =	sshll.u32 s28, $0x1;
	[dreg:$0x2] =	wrdreg s6  }
0xac: {  	[dreg:$0x3] =	wrdreg s7  }
0xad: {  	[dreg:$0x4] =	wrdreg $0xC0  }
0xae: {  	_ =	task [dreg:s10], $0x5FFFF  }
0xaf: {  	[dreg:$0x1] =	wrdreg $0xFFFFFFFF  }
0xb0: {  	[dreg:$0x0] =	wrdreg $0x60  }
0xb1: {  	[dreg:$0x2] =	wrdreg s2  }
0xb2: {  	[dreg:$0x3] =	wrdreg s19  }
0xb3: {  	[dreg:$0x4] =	wrdreg s4  }
0xb4: {  	[dreg:$0x5] =	wrdreg s5  }
0xb5: {  	[dreg:$0x6] =	wrdreg $0x9  }
0xb6: {  	_ =	task.clear_ibuf [dreg:s10], $0x7FFFF;
	_ =	strace $0x90000046  }
0xb7: {  	s29 =	simm.s32 $0x9;
	_ =	strace $0x80000048  }
0xb8: {  	_ =	swait.ge [sflag:s29], $0x1  }
0xb9: {  	[sflag:s29] =	ssyncadd.s32 $0xFFFFFFFF  }
0xba: {  	_ =	strace $0x90000048  }
0xbb: {  	_ =	sfence  }
0xbc: {  	s30 =	sld [smem:$0x0];
	_ =	sdelay $0x2  }
0xbd: {  	s31 =	sshll.u32 s1, $0xD;
	s1 =	sshrl.u32 s1, $0x2  }
0xbe: {  	s3 =	sand.u32 $0x4000, s31;
	s1 =	sadd.s32 s1, s30  }
0xbf: {  	s0 =	sor.u32 s3, s0;
	s1 =	sshll.u32 s1, $0x11  }
0xc0: {  	s0 =	sor.u32 s1, s0  }
0xc1: {  	s0 =	sadd.s32 $0x8F2B, s0  }
0xc2: {  	[sflag:s0] =	ssyncadd.remote.s32 $0x1  }
0xc3: {  	_ =	sfence.sel $0xFFFF  }
0xc4: {  	[dreg:$0x0] =	wrdreg $0xFFFFFFFF;
	(pc) =	sbr.abs _section_cstart, $3  }
0xc5: {  	[dreg:$0x1] =	wrdreg $0xFFFFFFFF  }
0xc6: {  	_ =	task.clear_ibuf [dreg:s10], $0x2FFFF;
	_ =	strace $0x9FFFFFFF  }
0xc7: {  	(tm) =	ssettm $0x7FFFFFFF  }
tec
execute0_lowered:
.L_overlay_start_1:
0x0: {  	(tag) =	ssettag $0x1  }
0x1: {  	s1 =	rddreg [dreg:$0x0]  }
0x2: {  	s2 =	rddreg [dreg:$0x1];
	s3 =	srdreg.scid  }
0x3: {  	s10 =	rddreg [dreg:$0x2];
	s0 =	stileid.u32  }
0x4: {  	s22 =	rddreg [dreg:$0x3];
	s4 =	simm.s32 $0x0;
	s24 =	sand.u32 $0x1, s3  }
0x5: {  	s5 =	sshll.u32 s0, $0x9;
	s3 =	rddreg [dreg:$0x4];
	s6 =	sshll.u32 s24, $0x8  }
0x6: {  	s7 =	simm.s32 $0x40;
	[smem:$0x7FF] =	sst s4;
	s19 =	sor.u32 s6, s5  }
0x7: {  	_ =	strace $0x80000047;
	s20 =	sor.u32 $0x40, s19;
	s5 =	sshrl.u32 s19, $0x3  }
0x8: {  	s21 =	sor.u32 $0x80, s19;
	s31 =	sshrl.u32 s20, $0x3;
	s5 =	sadd.s32 s10, s5  }
0x9: {  	[tilespmem:s4], [sflag:$0x1] =	stream.linear.gather [hbm4b:s5+s4], $0x40, $0x38;
	[tilespmem:$0x8100] =	vst v63  }
0xa: {  	s23 =	sor.u32 $0xC0, s19;
	s8 =	sshrl.u32 s21, $0x3;
	s6 =	sadd.s32 s10, s31  }
0xb: {  	[tilespmem:s7], [sflag:$0x1] =	stream.linear.gather [hbm4b:s6+s4], $0x40, $0x38;
	[tilespmem:$0x8100] =	vst v63  }
0xc: {  	s9 =	simm.s32 $0x80;
	s11 =	sshrl.u32 s23, $0x3;
	s8 =	sadd.s32 s10, s8  }
0xd: {  	[tilespmem:s9], [sflag:$0x1] =	stream.linear.gather [hbm4b:s8+s4], $0x40, $0x38;
	[tilespmem:$0x8100] =	vst v63  }
0xe: {  	s12 =	simm.s32 $0x1;
	s10 =	sadd.s32 s10, s11;
	s11 =	simm.s32 $0xC0  }
0xf: {  	[tilespmem:s11], [sflag:$0x1] =	stream.linear.gather [hbm4b:s10+s4], $0x40, $0x38;
	[tilespmem:$0x8100] =	vst v63  }
0x10: {  	_ =	swait.ge [sflag:s12], $0x40  }
0x11: {  	[sflag:s12] =	ssyncset.done $0x0  }
0x12: {  	s13 =	simm.s32 $0x100;
	[sflag:s12] =	ssyncadd.s32 $0xFFFFFFC0  }
0x13: {  	[tilespmem:s13], [sflag:$0x2] =	stream.indirect.gather [hbm4b:s1+s7], $0x80, s4, s7, $0xb8;
	[tilespmem:$0x8100] =	vst v63  }
0x14: {  	_ =	swait.ge [sflag:s12], $0x40  }
0x15: {  	[sflag:s12] =	ssyncset.done $0x0  }
0x16: {  	s14 =	simm.s32 $0x2100;
	[sflag:s12] =	ssyncadd.s32 $0xFFFFFFC0  }
0x17: {  	[tilespmem:s14], [sflag:$0x2] =	stream.indirect.gather [hbm4b:s1+s7], $0x80, s7, s7, $0xb8;
	[tilespmem:$0x8100] =	vst v63  }
0x18: {  	_ =	swait.ge [sflag:s12], $0x40  }
0x19: {  	[sflag:s12] =	ssyncset.done $0x0  }
0x1a: {  	s15 =	simm.s32 $0x4100;
	[sflag:s12] =	ssyncadd.s32 $0xFFFFFFC0  }
0x1b: {  	[tilespmem:s15], [sflag:$0x2] =	stream.indirect.gather [hbm4b:s1+s7], $0x80, s9, s7, $0xb8;
	[tilespmem:$0x8100] =	vst v63  }
0x1c: {  	_ =	swait.ge [sflag:s12], $0x40  }
0x1d: {  	[sflag:s12] =	ssyncset.done $0x0  }
0x1e: {  	s16 =	simm.s32 $0x6100;
	s17 =	simm.s32 $0x2;
	[sflag:s12] =	ssyncadd.s32 $0xFFFFFFC0  }
0x1f: {  	[tilespmem:s16], [sflag:$0x2] =	stream.indirect.gather [hbm4b:s1+s7], $0x80, s11, s7, $0xb8;
	[tilespmem:$0x8100] =	vst v63  }
0x20: {  	_ =	swait.ge [sflag:s17], $0x2000  }
0x21: {  	[sflag:s17] =	ssyncset.done $0x0  }
0x22: {  	[sflag:s17] =	ssyncadd.s32 $0xFFFFE000  }
0x23: {  	[tilespmem:s13], [sflag:$0x3] =	stream.indirect.gather.add.f32 [hbm:s2], $0x80, s4, s7, $0xb8;
	[tilespmem:$0x8100] =	vst v63  }
0x24: {  	_ =	swait.ge [sflag:s17], $0x2000  }
0x25: {  	[sflag:s17] =	ssyncset.done $0x0  }
0x26: {  	[sflag:s17] =	ssyncadd.s32 $0xFFFFE000  }
0x27: {  	[tilespmem:s14], [sflag:$0x3] =	stream.indirect.gather.add.f32 [hbm:s2], $0x80, s7, s7, $0xb8;
	[tilespmem:$0x8100] =	vst v63  }
0x28: {  	_ =	swait.ge [sflag:s17], $0x2000  }
0x29: {  	[sflag:s17] =	ssyncset.done $0x0  }
0x2a: {  	[sflag:s17] =	ssyncadd.s32 $0xFFFFE000  }
0x2b: {  	[tilespmem:s15], [sflag:$0x3] =	stream.indirect.gather.add.f32 [hbm:s2], $0x80, s9, s7, $0xb8;
	[tilespmem:$0x8100] =	vst v63  }
0x2c: {  	_ =	swait.ge [sflag:s17], $0x2000  }
0x2d: {  	[sflag:s17] =	ssyncset.done $0x0  }
0x2e: {  	s18 =	simm.s32 $0x3;
	[sflag:s17] =	ssyncadd.s32 $0xFFFFE000  }
0x2f: {  	[tilespmem:s16], [sflag:$0x3] =	stream.indirect.gather.add.f32 [hbm:s2], $0x80, s11, s7, $0xb8;
	[tilespmem:$0x8100] =	vst v63  }
0x30: {  	_ =	swait.ge [sflag:s18], $0x2000  }
0x31: {  	s19 =	sshll.u32 s19, $0x4;
	[sflag:s18] =	ssyncset.done $0x0  }
0x32: {  	s19 =	sadd.s32 s22, s19;
	[sflag:s18] =	ssyncadd.s32 $0xFFFFE000  }
0x33: {  	[hbm4b:s19+s4] =	stream.linear.scatter [tilespmem:s13], [sflag:$0x4], $0x2000, $0x38;
	[tilespmem:$0x8100] =	vst v63  }
0x34: {  	_ =	swait.ge [sflag:s18], $0x2000  }
0x35: {  	s20 =	sshll.u32 s20, $0x4;
	[sflag:s18] =	ssyncset.done $0x0  }
0x36: {  	s20 =	sadd.s32 s22, s20;
	[sflag:s18] =	ssyncadd.s32 $0xFFFFE000  }
0x37: {  	[hbm4b:s20+s4] =	stream.linear.scatter [tilespmem:s14], [sflag:$0x4], $0x2000, $0x38;
	[tilespmem:$0x8100] =	vst v63  }
0x38: {  	_ =	swait.ge [sflag:s18], $0x2000  }
0x39: {  	s21 =	sshll.u32 s21, $0x4;
	[sflag:s18] =	ssyncset.done $0x0  }
0x3a: {  	s21 =	sadd.s32 s22, s21;
	[sflag:s18] =	ssyncadd.s32 $0xFFFFE000  }
0x3b: {  	[hbm4b:s21+s4] =	stream.linear.scatter [tilespmem:s15], [sflag:$0x4], $0x2000, $0x38;
	[tilespmem:$0x8100] =	vst v63  }
0x3c: {  	_ =	swait.ge [sflag:s18], $0x2000  }
0x3d: {  	s23 =	sshll.u32 s23, $0x4;
	[sflag:s18] =	ssyncset.done $0x0  }
0x3e: {  	s23 =	sadd.s32 s22, s23;
	s22 =	simm.s32 $0x4;
	[sflag:s18] =	ssyncadd.s32 $0xFFFFE000  }
0x3f: {  	[hbm4b:s23+s4] =	stream.linear.scatter [tilespmem:s16], [sflag:$0x4], $0x2000, $0x38;
	[tilespmem:$0x8100] =	vst v63  }
0x40: {  	_ =	swait.ge [sflag:s22], $0x2000  }
0x41: {  	s24 =	ssub.s32 $0x2, s24;
	[sflag:s22] =	ssyncset.done $0x0  }
0x42: {  	s25 =	sshrl.u32 s24, $0x1;
	[sflag:s22] =	ssyncadd.s32 $0xFFFFE000  }
0x43: {  	s24 =	ssub.s32 s24, s25;
	_ =	swait.ge [sflag:s22], $0x2000  }
0x44: {  	s24 =	smax.u32 s24, $0x1;
	[sflag:s22] =	ssyncset.done $0x0  }
0x45: {  	p0 =	sne.s32 s24, $0x1;
	[sflag:s22] =	ssyncadd.s32 $0xFFFFE000  }
.Ltmp0:
0x46: {  	_ =	swait.ge [sflag:s22], $0x2000;
	(pc) =	sbr.rel @!p0 .LBB2_2-.Ltmp0, $4  }
0x47: {  	[sflag:s22] =	ssyncset.done $0x0  }
0x48: {  	[sflag:s22] =	ssyncadd.s32 $0xFFFFE000  }
0x49: {  	_ =	swait.ge [sflag:s22], $0x2000  }
0x4a: {  	s24 =	sadd.s32 $0xFFFFFFFF, s24;
	[sflag:s22] =	ssyncset.done $0x0  }
.LBB2_1:
0x4b: {  	p0 =	sne.s32 s24, $0x1;
	s24 =	sadd.s32 $0xFFFFFFFF, s24;
	[sflag:s22] =	ssyncadd.s32 $0xFFFFE000  }
0x4c: {  	[tilespmem:s4], [sflag:$0x1] =	stream.linear.gather [hbm4b:s5+s4], $0x40, $0x38;
	[tilespmem:$0x8100] =	vst v63  }
0x4d: {  	_ = 	snop  }
0x4e: {  	[tilespmem:s7], [sflag:$0x1] =	stream.linear.gather [hbm4b:s6+s4], $0x40, $0x38;
	[tilespmem:$0x8100] =	vst v63  }
0x4f: {  	_ = 	snop  }
0x50: {  	[tilespmem:s9], [sflag:$0x1] =	stream.linear.gather [hbm4b:s8+s4], $0x40, $0x38;
	[tilespmem:$0x8100] =	vst v63  }
0x51: {  	_ = 	snop  }
0x52: {  	[tilespmem:s11], [sflag:$0x1] =	stream.linear.gather [hbm4b:s10+s4], $0x40, $0x38;
	[tilespmem:$0x8100] =	vst v63  }
0x53: {  	_ =	swait.ge [sflag:s12], $0x40  }
0x54: {  	[sflag:s12] =	ssyncset.done $0x0  }
0x55: {  	[sflag:s12] =	ssyncadd.s32 $0xFFFFFFC0  }
0x56: {  	[tilespmem:s13], [sflag:$0x2] =	stream.indirect.gather [hbm4b:s1+s7], $0x80, s4, s7, $0xb8;
	[tilespmem:$0x8100] =	vst v63  }
0x57: {  	_ =	swait.ge [sflag:s12], $0x40  }
0x58: {  	[sflag:s12] =	ssyncset.done $0x0  }
0x59: {  	[sflag:s12] =	ssyncadd.s32 $0xFFFFFFC0  }
0x5a: {  	[tilespmem:s14], [sflag:$0x2] =	stream.indirect.gather [hbm4b:s1+s7], $0x80, s7, s7, $0xb8;
	[tilespmem:$0x8100] =	vst v63  }
0x5b: {  	_ =	swait.ge [sflag:s12], $0x40  }
0x5c: {  	[sflag:s12] =	ssyncset.done $0x0  }
0x5d: {  	[sflag:s12] =	ssyncadd.s32 $0xFFFFFFC0  }
0x5e: {  	[tilespmem:s15], [sflag:$0x2] =	stream.indirect.gather [hbm4b:s1+s7], $0x80, s9, s7, $0xb8;
	[tilespmem:$0x8100] =	vst v63  }
0x5f: {  	_ =	swait.ge [sflag:s12], $0x40  }
0x60: {  	[sflag:s12] =	ssyncset.done $0x0  }
0x61: {  	[sflag:s12] =	ssyncadd.s32 $0xFFFFFFC0  }
0x62: {  	[tilespmem:s16], [sflag:$0x2] =	stream.indirect.gather [hbm4b:s1+s7], $0x80, s11, s7, $0xb8;
	[tilespmem:$0x8100] =	vst v63  }
0x63: {  	_ =	swait.ge [sflag:s17], $0x2000  }
0x64: {  	[sflag:s17] =	ssyncset.done $0x0  }
0x65: {  	[sflag:s17] =	ssyncadd.s32 $0xFFFFE000  }
0x66: {  	[tilespmem:s13], [sflag:$0x3] =	stream.indirect.gather.add.f32 [hbm:s2], $0x80, s4, s7, $0xb8;
	[tilespmem:$0x8100] =	vst v63  }
0x67: {  	_ =	swait.ge [sflag:s17], $0x2000  }
0x68: {  	[sflag:s17] =	ssyncset.done $0x0  }
0x69: {  	[sflag:s17] =	ssyncadd.s32 $0xFFFFE000  }
0x6a: {  	[tilespmem:s14], [sflag:$0x3] =	stream.indirect.gather.add.f32 [hbm:s2], $0x80, s7, s7, $0xb8;
	[tilespmem:$0x8100] =	vst v63  }
0x6b: {  	_ =	swait.ge [sflag:s17], $0x2000  }
0x6c: {  	[sflag:s17] =	ssyncset.done $0x0  }
0x6d: {  	[sflag:s17] =	ssyncadd.s32 $0xFFFFE000  }
0x6e: {  	[tilespmem:s15], [sflag:$0x3] =	stream.indirect.gather.add.f32 [hbm:s2], $0x80, s9, s7, $0xb8;
	[tilespmem:$0x8100] =	vst v63  }
0x6f: {  	_ =	swait.ge [sflag:s17], $0x2000  }
0x70: {  	[sflag:s17] =	ssyncset.done $0x0  }
0x71: {  	[sflag:s17] =	ssyncadd.s32 $0xFFFFE000  }
0x72: {  	[tilespmem:s16], [sflag:$0x3] =	stream.indirect.gather.add.f32 [hbm:s2], $0x80, s11, s7, $0xb8;
	[tilespmem:$0x8100] =	vst v63  }
0x73: {  	_ =	swait.ge [sflag:s18], $0x2000  }
0x74: {  	[sflag:s18] =	ssyncset.done $0x0  }
0x75: {  	[sflag:s18] =	ssyncadd.s32 $0xFFFFE000  }
0x76: {  	[hbm4b:s19+s4] =	stream.linear.scatter [tilespmem:s13], [sflag:$0x4], $0x2000, $0x38;
	[tilespmem:$0x8100] =	vst v63  }
0x77: {  	_ =	swait.ge [sflag:s18], $0x2000  }
0x78: {  	[sflag:s18] =	ssyncset.done $0x0  }
0x79: {  	[sflag:s18] =	ssyncadd.s32 $0xFFFFE000  }
0x7a: {  	[hbm4b:s20+s4] =	stream.linear.scatter [tilespmem:s14], [sflag:$0x4], $0x2000, $0x38;
	[tilespmem:$0x8100] =	vst v63  }
0x7b: {  	_ =	swait.ge [sflag:s18], $0x2000  }
0x7c: {  	[sflag:s18] =	ssyncset.done $0x0  }
0x7d: {  	[sflag:s18] =	ssyncadd.s32 $0xFFFFE000  }
0x7e: {  	[hbm4b:s21+s4] =	stream.linear.scatter [tilespmem:s15], [sflag:$0x4], $0x2000, $0x38;
	[tilespmem:$0x8100] =	vst v63  }
0x7f: {  	_ =	swait.ge [sflag:s18], $0x2000  }
0x80: {  	[sflag:s18] =	ssyncset.done $0x0  }
0x81: {  	[sflag:s18] =	ssyncadd.s32 $0xFFFFE000  }
0x82: {  	[hbm4b:s23+s4] =	stream.linear.scatter [tilespmem:s16], [sflag:$0x4], $0x2000, $0x38;
	[tilespmem:$0x8100] =	vst v63  }
0x83: {  	_ =	swait.ge [sflag:s22], $0x2000  }
0x84: {  	[sflag:s22] =	ssyncset.done $0x0  }
0x85: {  	[sflag:s22] =	ssyncadd.s32 $0xFFFFE000  }
0x86: {  	_ =	swait.ge [sflag:s22], $0x2000  }
0x87: {  	[sflag:s22] =	ssyncset.done $0x0  }
0x88: {  	[sflag:s22] =	ssyncadd.s32 $0xFFFFE000  }
.Ltmp1:
0x89: {  	_ =	swait.ge [sflag:s22], $0x2000;
	(pc) =	sbr.rel @p0 .LBB2_1-.Ltmp1, $4  }
0x8a: {  	[sflag:s22] =	ssyncset.done $0x0  }
0x8b: {  	[sflag:s22] =	ssyncadd.s32 $0xFFFFE000  }
0x8c: {  	_ =	swait.ge [sflag:s22], $0x2000  }
0x8d: {  	[sflag:s22] =	ssyncset.done $0x0  }
.LBB2_2:
0x8e: {  	[sflag:s22] =	ssyncadd.s32 $0xFFFFE000  }
0x8f: {  	_ =	sfence.sel $0x180000  }
0x90: {  	[bflag:$0x0] =	sbarrier.arrive $0xFFFF  }
0x91: {  	p0 =	sne.s32 s0, $0x0;
	_ =	strace $0x90000047  }
0x92: {  	s0 =	sadd.s32 @!p0 $0x100000, s3;
	[bflag:$0x2] =	sbarrier.arrive $0xFFFF  }
0x93: {  	[sflag:s0] =	ssyncadd.tile.s32 @!p0 $0x1;
	_ =	shalt  }
.Lfunc_end2:
_tile_overlayer_lowered:
.L_overlay_start_2:
0x94: {  	(tag) =	ssettag $0x2  }
0x95: {  	s0 =	rddreg [dreg:$0x0];
	s2 =	stileid.u32  }
0x96: {  	s1 =	rddreg [dreg:$0x1];
	p0 =	sne.s32 s2, $0x0  }
0x97: {  	s3 =	rddreg [dreg:$0x2];
	[bflag:$0x3] =	sbarrier.arrive $0xFFFF;
	s2 =	simm.s32 @!p0 $0x1C05  }
0x98: {  	[timem:s3], [sflag:s2] =	dma.local @!p0 [hbm:s0], s1  }
0x99: {  	s0 =	simm.s32 @!p0 $0x5  }
0x9a: {  	_ =	swait.ge @!p0 [sflag:s0], s1  }
0x9b: {  	s1 =	ssub.s32 @!p0 $0x0, s1;
	[sflag:s0] =	ssyncset.done @!p0 $0x0  }
0x9c: {  	[sflag:s0] =	ssyncadd.s32 @!p0 s1  }
0x9d: {  	[bflag:$0x3] =	sbarrier.arrive $0xFFFF  }
0x9e: {  	_ =	shalt  }

</sc_bundles>
